<compile_context>
chip_gen: v7x
topology: tpu7x:2x2x1
jax: 0.10.2.dev20260603
libtpu: 0.0.44.dev20260713+nightly
codegen_flags: <defaults>
</compile_context>

<pallas_src>
import functools

import jax
import jax.numpy as jnp
from jax import lax
from jax.experimental import pallas as pl
from jax.experimental.pallas import tpu as pltpu
from jax.experimental.pallas import tpu_sc as plsc

_N = 1_000_000
_TABLE = 100
_LANES = 16

_info = plsc.get_sparse_core_info()
_NC = _info.num_cores
_NS = _info.num_subcores
_NW = _NC * _NS

_NVEC = _N // _LANES
_VPW = _NVEC // _NW
_PER_W = _VPW * _LANES
_REM_V = _NVEC - _VPW * _NW
_REM_BASE = _PER_W * _NW

_VA = 976
_VB = _VPW - _VA
_EA = _VA * _LANES
_EB = _VB * _LANES


@functools.partial(
    pl.kernel,
    out_type=jax.ShapeDtypeStruct((_N,), jnp.float32),
    mesh=plsc.VectorSubcoreMesh(core_axis_name="c", subcore_axis_name="s"),
    compiler_params=pltpu.CompilerParams(needs_layout_passes=False),
    scratch_types=[
        pltpu.VMEM((_TABLE,), jnp.float32),
        pltpu.VMEM((_PER_W + _LANES,), jnp.int32),
        pltpu.VMEM((_PER_W + _LANES,), jnp.float32),
        pltpu.SemaphoreType.DMA,
        pltpu.SemaphoreType.DMA,
        pltpu.SemaphoreType.DMA,
        pltpu.SemaphoreType.DMA,
    ],
)
def _gather_sc(z_hbm, tab_hbm, out_hbm, tab_v, z_v, o_v,
               sem_a, sem_b, sem_oa, sem_ob):
    wid = lax.axis_index("s") * _NC + lax.axis_index("c")
    base = wid * _PER_W
    rem_off = _REM_BASE + wid * _LANES

    cp_a = pltpu.async_copy(z_hbm.at[pl.ds(base, _EA)],
                            z_v.at[pl.ds(0, _EA)], sem_a)
    cp_b = pltpu.async_copy(z_hbm.at[pl.ds(base + _EA, _EB)],
                            z_v.at[pl.ds(_EA, _EB)], sem_b)
    pltpu.sync_copy(tab_hbm, tab_v)

    def one_vec(off):
        zv = z_v[pl.ds(off, _LANES)]
        o_v[pl.ds(off, _LANES)] = plsc.load_gather(tab_v, [zv])

    cp_a.wait()

    @plsc.parallel_loop(0, _EA, _LANES, unroll=4)
    def _half_a(off):
        one_vec(off)

    out_a = pltpu.async_copy(o_v.at[pl.ds(0, _EA)],
                             out_hbm.at[pl.ds(base, _EA)], sem_oa)
    cp_b.wait()

    @plsc.parallel_loop(_EA, _EA + _EB - _LANES, _LANES, unroll=4)
    def _half_b(off):
        one_vec(off)

    one_vec(_EA + _EB - _LANES)

    out_b = pltpu.async_copy(o_v.at[pl.ds(_EA, _EB)],
                             out_hbm.at[pl.ds(base + _EA, _EB)], sem_ob)

    @pl.when(wid < _REM_V)
    def _extra():
        pltpu.sync_copy(z_hbm.at[pl.ds(rem_off, _LANES)],
                        z_v.at[pl.ds(_PER_W, _LANES)])
        one_vec(_PER_W)
        pltpu.sync_copy(o_v.at[pl.ds(_PER_W, _LANES)],
                        out_hbm.at[pl.ds(rem_off, _LANES)])

    out_a.wait()
    out_b.wait()


def kernel(x, z, atomref_weight):
    zi = jnp.ravel(z).astype(jnp.int32)
    tab = jnp.ravel(atomref_weight).astype(jnp.float32)
    ref1d = _gather_sc(zi, tab)
    return x.astype(jnp.float32) + ref1d.reshape(_N, 1)

# --- scband reference (transcript-rebuilt; emitter-appended) ---
"""Pipeline reference for scband-atomref-81088982549024 (READ-ONLY COPY).

The authoritative reference and input builder live on the scoring server;
editing this copy changes nothing except your own understanding.
"""

import jax, jax.numpy as jnp
import numpy as np

N = 1000000
MAX_Z = 100

def setup_inputs(seed: int = 0) -> dict:
    key = jax.random.key(seed)
    k1, k2, k3 = jax.random.split(key, 3)
    x = jax.random.normal(k1, (N, 1), dtype=jnp.float32)
    z = jax.random.randint(k2, (N,), 0, MAX_Z, dtype=jnp.int64)
    # nn.Embedding(MAX_Z, 1) weight; Atomref default initializes it to zeros,
    # but keep it a learned parameter (random init) to exercise the gather.
    atomref_weight = jax.random.normal(k3, (MAX_Z, 1), dtype=jnp.float32) * 0.1
    return {"x": x, "z": z, "atomref_weight": atomref_weight}

def reference(x, z, atomref_weight):
    # x: [N, 1] atomic energies; z: [N] atomic numbers
    # torch: x + self.atomref(z)  ->  embedding gather then add
    ref = jnp.take(atomref_weight, z, axis=0)  # [N, 1]
    return x + ref

if __name__ == "__main__":
    import jax
    _d = setup_inputs()
    print(jax.jit(kernel)(*tuple(_d.values())))

</pallas_src>

<mosaic_0001>
#map = affine_map<(d0, d1) -> (0)>
module attributes {stable_mosaic.version = 14 : i64} {
  func.func @_gather_sc(%arg0: i32, %arg1: i32, %arg2: memref<1000000xi32, #tpu.memory_space<hbm>>, %arg3: memref<100xf32, #tpu.memory_space<hbm>>, %arg4: memref<1000000xf32, #tpu.memory_space<hbm>>, %arg5: memref<100xf32, #tpu.memory_space<vmem>>, %arg6: memref<31264xi32, #tpu.memory_space<vmem>>, %arg7: memref<31264xf32, #tpu.memory_space<vmem>>, %arg8: memref<!tpu.dma_semaphore, #tpu.memory_space<semaphore_mem>>, %arg9: memref<!tpu.dma_semaphore, #tpu.memory_space<semaphore_mem>>, %arg10: memref<!tpu.dma_semaphore, #tpu.memory_space<semaphore_mem>>, %arg11: memref<!tpu.dma_semaphore, #tpu.memory_space<semaphore_mem>>) attributes {dimension_semantics = [#tpu.dimension_semantics<core_parallel>, #tpu.dimension_semantics<subcore_parallel>], iteration_bounds = array<i64: 2, 16>, scalar_prefetch = 0 : i64, scratch_operands = 7 : i64, tpu.core_type = #tpu.core_type<sc_vector_subcore>, window_params = [{transform_indices = #map}, {transform_indices = #map}, {transform_indices = #map}]} {
    %mul3A = arith.constant 2 : i32
    %mul3A_0 = arith.muli %arg1, %mul3A : i32
    %add3A = arith.addi %mul3A_0, %arg0 : i32
    %mul3A_1 = arith.constant 31248 : i32
    %mul3A_2 = arith.muli %add3A, %mul3A_1 : i32
    %mul3A_3 = arith.constant 16 : i32
    %mul3A_4 = arith.muli %add3A, %mul3A_3 : i32
    %add3A_5 = arith.constant 999936 : i32
    %add3A_6 = arith.addi %add3A_5, %mul3A_4 : i32
    %dma_start3A = arith.constant 0 : i32
    %dma_start3A_7 = tpu.memref_slice %arg6[%dma_start3A] : memref<31264xi32, #tpu.memory_space<vmem>> -> memref<15616xi32, #tpu.memory_space<vmem>>
    %dma_start3A_8 = tpu.memref_slice %arg2[%mul3A_2] : memref<1000000xi32, #tpu.memory_space<hbm>> -> memref<15616xi32, #tpu.memory_space<hbm>>
    %dma_start3A_9 = arith.constant 0 : i32
    %dma_start3A_10 = tpu.memref_slice %arg6[%dma_start3A_9] : memref<31264xi32, #tpu.memory_space<vmem>> -> memref<15616xi32, #tpu.memory_space<vmem>>
    %dma_start3A_11 = tpu.memref_slice %arg2[%mul3A_2] : memref<1000000xi32, #tpu.memory_space<hbm>> -> memref<15616xi32, #tpu.memory_space<hbm>>
    tpu.enqueue_dma source(%dma_start3A_11 : memref<15616xi32, #tpu.memory_space<hbm>>) target(%dma_start3A_10 : memref<15616xi32, #tpu.memory_space<vmem>>) target_semaphore(%arg8 : memref<!tpu.dma_semaphore, #tpu.memory_space<semaphore_mem>>)
    %add3A_12 = arith.constant 15616 : i32
    %add3A_13 = arith.addi %mul3A_2, %add3A_12 : i32
    %dma_start3A_14 = arith.constant 15616 : i32
    %dma_start3A_15 = tpu.memref_slice %arg6[%dma_start3A_14] : memref<31264xi32, #tpu.memory_space<vmem>> -> memref<15632xi32, #tpu.memory_space<vmem>>
    %dma_start3A_16 = tpu.memref_slice %arg2[%add3A_13] : memref<1000000xi32, #tpu.memory_space<hbm>> -> memref<15632xi32, #tpu.memory_space<hbm>>
    %dma_start3A_17 = arith.constant 15616 : i32
    %dma_start3A_18 = tpu.memref_slice %arg6[%dma_start3A_17] : memref<31264xi32, #tpu.memory_space<vmem>> -> memref<15632xi32, #tpu.memory_space<vmem>>
    %dma_start3A_19 = tpu.memref_slice %arg2[%add3A_13] : memref<1000000xi32, #tpu.memory_space<hbm>> -> memref<15632xi32, #tpu.memory_space<hbm>>
    tpu.enqueue_dma source(%dma_start3A_19 : memref<15632xi32, #tpu.memory_space<hbm>>) target(%dma_start3A_18 : memref<15632xi32, #tpu.memory_space<vmem>>) target_semaphore(%arg9 : memref<!tpu.dma_semaphore, #tpu.memory_space<semaphore_mem>>)
    "tpu.region"() ({
      %run_scoped3A = tpu.sem_alloc : memref<!tpu.dma_semaphore, #tpu.memory_space<semaphore_mem>>
      tpu.enqueue_dma source(%arg3 : memref<100xf32, #tpu.memory_space<hbm>>) target(%arg5 : memref<100xf32, #tpu.memory_space<vmem>>) target_semaphore(%run_scoped3A : memref<!tpu.dma_semaphore, #tpu.memory_space<semaphore_mem>>)
      tpu.wait_dma2 semaphore(%run_scoped3A : memref<!tpu.dma_semaphore, #tpu.memory_space<semaphore_mem>>) src(%arg3 : memref<100xf32, #tpu.memory_space<hbm>>) dst(%arg5 : memref<100xf32, #tpu.memory_space<vmem>>)
      tpu.yield
    }) : () -> ()
    %dma_wait3A = arith.constant 0 : i32
    %dma_wait3A_20 = tpu.memref_slice %arg6[%dma_wait3A] : memref<31264xi32, #tpu.memory_space<vmem>> -> memref<15616xi32, #tpu.memory_space<vmem>>
    %dma_wait3A_21 = tpu.memref_slice %arg2[%mul3A_2] : memref<1000000xi32, #tpu.memory_space<hbm>> -> memref<15616xi32, #tpu.memory_space<hbm>>
    %dma_wait3A_22 = arith.constant 0 : i32
    %dma_wait3A_23 = tpu.memref_slice %arg6[%dma_wait3A_22] : memref<31264xi32, #tpu.memory_space<vmem>> -> memref<15616xi32, #tpu.memory_space<vmem>>
    %dma_wait3A_24 = tpu.memref_slice %arg2[%mul3A_2] : memref<1000000xi32, #tpu.memory_space<hbm>> -> memref<15616xi32, #tpu.memory_space<hbm>>
    tpu.wait_dma2 semaphore(%arg8 : memref<!tpu.dma_semaphore, #tpu.memory_space<semaphore_mem>>) src(%dma_wait3A_24 : memref<15616xi32, #tpu.memory_space<hbm>>) dst(%dma_wait3A_23 : memref<15616xi32, #tpu.memory_space<vmem>>)
    %parallel_loop3A = arith.constant 0 : i32
    %parallel_loop3A_25 = arith.constant 15616 : i32
    %parallel_loop3A_26 = arith.constant 16 : i32
    scf.for %parallel_loop3A_66 = %parallel_loop3A to %parallel_loop3A_25 step %parallel_loop3A_26  : i32 {
      %parallel_loop3A_67 = arith.index_cast %parallel_loop3A_66 : i32 to index
      %parallel_loop3A_68 = tpu.vector_load %arg6[%parallel_loop3A_67] {strides = array<i32>} : memref<31264xi32, #tpu.memory_space<vmem>>, vector<16xi32>,
      %parallel_loop3A_69 = tpu.vector_load_idx %arg5[%parallel_loop3A_68] : memref<100xf32, #tpu.memory_space<vmem>>[vector<16xi32>], vector<16xf32>,
      %parallel_loop3A_70 = arith.index_cast %parallel_loop3A_66 : i32 to index
      %parallel_loop3A_71 = tpu.vector_load %arg7[%parallel_loop3A_70] {strides = array<i32>} : memref<31264xf32, #tpu.memory_space<vmem>>, vector<16xf32>,
      tpu.vector_store %arg7[%parallel_loop3A_70], %parallel_loop3A_69 {strides = array<i32>} : memref<31264xf32, #tpu.memory_space<vmem>>, vector<16xf32>,
    } {sc.loop_unroll_factor = 4 : i64, sc.parallel_access}
    %dma_start3A_27 = arith.constant 0 : i32
    %dma_start3A_28 = tpu.memref_slice %arg7[%dma_start3A_27] : memref<31264xf32, #tpu.memory_space<vmem>> -> memref<15616xf32, #tpu.memory_space<vmem>>
    %dma_start3A_29 = tpu.memref_slice %arg4[%mul3A_2] : memref<1000000xf32, #tpu.memory_space<hbm>> -> memref<15616xf32, #tpu.memory_space<hbm>>
    %dma_start3A_30 = tpu.memref_slice %arg4[%mul3A_2] : memref<1000000xf32, #tpu.memory_space<hbm>> -> memref<15616xf32, #tpu.memory_space<hbm>>
    %dma_start3A_31 = arith.constant 0 : i32
    %dma_start3A_32 = tpu.memref_slice %arg7[%dma_start3A_31] : memref<31264xf32, #tpu.memory_space<vmem>> -> memref<15616xf32, #tpu.memory_space<vmem>>
    tpu.enqueue_dma source(%dma_start3A_32 : memref<15616xf32, #tpu.memory_space<vmem>>) target(%dma_start3A_30 : memref<15616xf32, #tpu.memory_space<hbm>>) target_semaphore(%arg10 : memref<!tpu.dma_semaphore, #tpu.memory_space<semaphore_mem>>)
    %dma_wait3A_33 = arith.constant 15616 : i32
    %dma_wait3A_34 = tpu.memref_slice %arg6[%dma_wait3A_33] : memref<31264xi32, #tpu.memory_space<vmem>> -> memref<15632xi32, #tpu.memory_space<vmem>>
    %dma_wait3A_35 = tpu.memref_slice %arg2[%add3A_13] : memref<1000000xi32, #tpu.memory_space<hbm>> -> memref<15632xi32, #tpu.memory_space<hbm>>
    %dma_wait3A_36 = arith.constant 15616 : i32
    %dma_wait3A_37 = tpu.memref_slice %arg6[%dma_wait3A_36] : memref<31264xi32, #tpu.memory_space<vmem>> -> memref<15632xi32, #tpu.memory_space<vmem>>
    %dma_wait3A_38 = tpu.memref_slice %arg2[%add3A_13] : memref<1000000xi32, #tpu.memory_space<hbm>> -> memref<15632xi32, #tpu.memory_space<hbm>>
    tpu.wait_dma2 semaphore(%arg9 : memref<!tpu.dma_semaphore, #tpu.memory_space<semaphore_mem>>) src(%dma_wait3A_38 : memref<15632xi32, #tpu.memory_space<hbm>>) dst(%dma_wait3A_37 : memref<15632xi32, #tpu.memory_space<vmem>>)
    %parallel_loop3A_39 = arith.constant 15616 : i32
    %parallel_loop3A_40 = arith.constant 31232 : i32
    %parallel_loop3A_41 = arith.constant 16 : i32
    scf.for %parallel_loop3A_66 = %parallel_loop3A_39 to %parallel_loop3A_40 step %parallel_loop3A_41  : i32 {
      %parallel_loop3A_67 = arith.index_cast %parallel_loop3A_66 : i32 to index
      %parallel_loop3A_68 = tpu.vector_load %arg6[%parallel_loop3A_67] {strides = array<i32>} : memref<31264xi32, #tpu.memory_space<vmem>>, vector<16xi32>,
      %parallel_loop3A_69 = tpu.vector_load_idx %arg5[%parallel_loop3A_68] : memref<100xf32, #tpu.memory_space<vmem>>[vector<16xi32>], vector<16xf32>,
      %parallel_loop3A_70 = arith.index_cast %parallel_loop3A_66 : i32 to index
      %parallel_loop3A_71 = tpu.vector_load %arg7[%parallel_loop3A_70] {strides = array<i32>} : memref<31264xf32, #tpu.memory_space<vmem>>, vector<16xf32>,
      tpu.vector_store %arg7[%parallel_loop3A_70], %parallel_loop3A_69 {strides = array<i32>} : memref<31264xf32, #tpu.memory_space<vmem>>, vector<16xf32>,
    } {sc.loop_unroll_factor = 4 : i64, sc.parallel_access}
    %get3A = arith.constant 31232 : index
    %get3A_42 = tpu.vector_load %arg6[%get3A] {strides = array<i32>} : memref<31264xi32, #tpu.memory_space<vmem>>, vector<16xi32>,
    %gather3A = tpu.vector_load_idx %arg5[%get3A_42] : memref<100xf32, #tpu.memory_space<vmem>>[vector<16xi32>], vector<16xf32>,
    %swap3A = arith.constant 31232 : index
    %swap3A_43 = tpu.vector_load %arg7[%swap3A] {strides = array<i32>} : memref<31264xf32, #tpu.memory_space<vmem>>, vector<16xf32>,
    tpu.vector_store %arg7[%swap3A], %gather3A {strides = array<i32>} : memref<31264xf32, #tpu.memory_space<vmem>>, vector<16xf32>,
    %add3A_44 = arith.constant 15616 : i32
    %add3A_45 = arith.addi %mul3A_2, %add3A_44 : i32
    %dma_start3A_46 = arith.constant 15616 : i32
    %dma_start3A_47 = tpu.memref_slice %arg7[%dma_start3A_46] : memref<31264xf32, #tpu.memory_space<vmem>> -> memref<15632xf32, #tpu.memory_space<vmem>>
    %dma_start3A_48 = tpu.memref_slice %arg4[%add3A_45] : memref<1000000xf32, #tpu.memory_space<hbm>> -> memref<15632xf32, #tpu.memory_space<hbm>>
    %dma_start3A_49 = tpu.memref_slice %arg4[%add3A_45] : memref<1000000xf32, #tpu.memory_space<hbm>> -> memref<15632xf32, #tpu.memory_space<hbm>>
    %dma_start3A_50 = arith.constant 15616 : i32
    %dma_start3A_51 = tpu.memref_slice %arg7[%dma_start3A_50] : memref<31264xf32, #tpu.memory_space<vmem>> -> memref<15632xf32, #tpu.memory_space<vmem>>
    tpu.enqueue_dma source(%dma_start3A_51 : memref<15632xf32, #tpu.memory_space<vmem>>) target(%dma_start3A_49 : memref<15632xf32, #tpu.memory_space<hbm>>) target_semaphore(%arg11 : memref<!tpu.dma_semaphore, #tpu.memory_space<semaphore_mem>>)
    %lt3A = arith.constant 4 : i32
    %lt3A_52 = arith.cmpi slt, %add3A, %lt3A : i32
    %convert_element_type3A = arith.extui %lt3A_52 : i1 to i32
    %cond3A = arith.constant 0 : i32
    %cond3A_53 = arith.cmpi ne, %convert_element_type3A, %cond3A : i32
    scf.if %cond3A_53 {
      "tpu.region"() ({
        %run_scoped3A = tpu.sem_alloc : memref<!tpu.dma_semaphore, #tpu.memory_space<semaphore_mem>>
        %dma_start3A_71 = arith.constant 31248 : i32
        %dma_start3A_72 = tpu.memref_slice %arg6[%dma_start3A_71] : memref<31264xi32, #tpu.memory_space<vmem>> -> memref<16xi32, #tpu.memory_space<vmem>>
        %dma_start3A_73 = tpu.memref_slice %arg2[%add3A_6] : memref<1000000xi32, #tpu.memory_space<hbm>> -> memref<16xi32, #tpu.memory_space<hbm>>
        %dma_start3A_74 = arith.constant 31248 : i32
        %dma_start3A_75 = tpu.memref_slice %arg6[%dma_start3A_74] : memref<31264xi32, #tpu.memory_space<vmem>> -> memref<16xi32, #tpu.memory_space<vmem>>
        %dma_start3A_76 = tpu.memref_slice %arg2[%add3A_6] : memref<1000000xi32, #tpu.memory_space<hbm>> -> memref<16xi32, #tpu.memory_space<hbm>>
        tpu.enqueue_dma source(%dma_start3A_76 : memref<16xi32, #tpu.memory_space<hbm>>) target(%dma_start3A_75 : memref<16xi32, #tpu.memory_space<vmem>>) target_semaphore(%run_scoped3A : memref<!tpu.dma_semaphore, #tpu.memory_space<semaphore_mem>>)
        %dma_wait3A_77 = arith.constant 31248 : i32
        %dma_wait3A_78 = tpu.memref_slice %arg6[%dma_wait3A_77] : memref<31264xi32, #tpu.memory_space<vmem>> -> memref<16xi32, #tpu.memory_space<vmem>>
        %dma_wait3A_79 = tpu.memref_slice %arg2[%add3A_6] : memref<1000000xi32, #tpu.memory_space<hbm>> -> memref<16xi32, #tpu.memory_space<hbm>>
        %dma_wait3A_80 = arith.constant 31248 : i32
        %dma_wait3A_81 = tpu.memref_slice %arg6[%dma_wait3A_80] : memref<31264xi32, #tpu.memory_space<vmem>> -> memref<16xi32, #tpu.memory_space<vmem>>
        %dma_wait3A_82 = tpu.memref_slice %arg2[%add3A_6] : memref<1000000xi32, #tpu.memory_space<hbm>> -> memref<16xi32, #tpu.memory_space<hbm>>
        tpu.wait_dma2 semaphore(%run_scoped3A : memref<!tpu.dma_semaphore, #tpu.memory_space<semaphore_mem>>) src(%dma_wait3A_82 : memref<16xi32, #tpu.memory_space<hbm>>) dst(%dma_wait3A_81 : memref<16xi32, #tpu.memory_space<vmem>>)
        tpu.yield
      }) : () -> ()
      %get3A_66 = arith.constant 31248 : index
      %get3A_67 = tpu.vector_load %arg6[%get3A_66] {strides = array<i32>} : memref<31264xi32, #tpu.memory_space<vmem>>, vector<16xi32>,
      %gather3A_68 = tpu.vector_load_idx %arg5[%get3A_67] : memref<100xf32, #tpu.memory_space<vmem>>[vector<16xi32>], vector<16xf32>,
      %swap3A_69 = arith.constant 31248 : index
      %swap3A_70 = tpu.vector_load %arg7[%swap3A_69] {strides = array<i32>} : memref<31264xf32, #tpu.memory_space<vmem>>, vector<16xf32>,
      tpu.vector_store %arg7[%swap3A_69], %gather3A_68 {strides = array<i32>} : memref<31264xf32, #tpu.memory_space<vmem>>, vector<16xf32>,
      "tpu.region"() ({
        %run_scoped3A = tpu.sem_alloc : memref<!tpu.dma_semaphore, #tpu.memory_space<semaphore_mem>>
        %dma_start3A_71 = arith.constant 31248 : i32
        %dma_start3A_72 = tpu.memref_slice %arg7[%dma_start3A_71] : memref<31264xf32, #tpu.memory_space<vmem>> -> memref<16xf32, #tpu.memory_space<vmem>>
        %dma_start3A_73 = tpu.memref_slice %arg4[%add3A_6] : memref<1000000xf32, #tpu.memory_space<hbm>> -> memref<16xf32, #tpu.memory_space<hbm>>
        %dma_start3A_74 = tpu.memref_slice %arg4[%add3A_6] : memref<1000000xf32, #tpu.memory_space<hbm>> -> memref<16xf32, #tpu.memory_space<hbm>>
        %dma_start3A_75 = arith.constant 31248 : i32
        %dma_start3A_76 = tpu.memref_slice %arg7[%dma_start3A_75] : memref<31264xf32, #tpu.memory_space<vmem>> -> memref<16xf32, #tpu.memory_space<vmem>>
        tpu.enqueue_dma source(%dma_start3A_76 : memref<16xf32, #tpu.memory_space<vmem>>) target(%dma_start3A_74 : memref<16xf32, #tpu.memory_space<hbm>>) target_semaphore(%run_scoped3A : memref<!tpu.dma_semaphore, #tpu.memory_space<semaphore_mem>>)
        %dma_wait3A_77 = arith.constant 31248 : i32
        %dma_wait3A_78 = tpu.memref_slice %arg7[%dma_wait3A_77] : memref<31264xf32, #tpu.memory_space<vmem>> -> memref<16xf32, #tpu.memory_space<vmem>>
        %dma_wait3A_79 = tpu.memref_slice %arg4[%add3A_6] : memref<1000000xf32, #tpu.memory_space<hbm>> -> memref<16xf32, #tpu.memory_space<hbm>>
        %dma_wait3A_80 = tpu.memref_slice %arg4[%add3A_6] : memref<1000000xf32, #tpu.memory_space<hbm>> -> memref<16xf32, #tpu.memory_space<hbm>>
        %dma_wait3A_81 = arith.constant 31248 : i32
        %dma_wait3A_82 = tpu.memref_slice %arg7[%dma_wait3A_81] : memref<31264xf32, #tpu.memory_space<vmem>> -> memref<16xf32, #tpu.memory_space<vmem>>
        tpu.wait_dma2 semaphore(%run_scoped3A : memref<!tpu.dma_semaphore, #tpu.memory_space<semaphore_mem>>) src(%dma_wait3A_82 : memref<16xf32, #tpu.memory_space<vmem>>) dst(%dma_wait3A_80 : memref<16xf32, #tpu.memory_space<hbm>>)
        tpu.yield
      }) : () -> ()
    } else {
    }
    %dma_wait3A_54 = arith.constant 0 : i32
    %dma_wait3A_55 = tpu.memref_slice %arg7[%dma_wait3A_54] : memref<31264xf32, #tpu.memory_space<vmem>> -> memref<15616xf32, #tpu.memory_space<vmem>>
    %dma_wait3A_56 = tpu.memref_slice %arg4[%mul3A_2] : memref<1000000xf32, #tpu.memory_space<hbm>> -> memref<15616xf32, #tpu.memory_space<hbm>>
    %dma_wait3A_57 = tpu.memref_slice %arg4[%mul3A_2] : memref<1000000xf32, #tpu.memory_space<hbm>> -> memref<15616xf32, #tpu.memory_space<hbm>>
    %dma_wait3A_58 = arith.constant 0 : i32
    %dma_wait3A_59 = tpu.memref_slice %arg7[%dma_wait3A_58] : memref<31264xf32, #tpu.memory_space<vmem>> -> memref<15616xf32, #tpu.memory_space<vmem>>
    tpu.wait_dma2 semaphore(%arg10 : memref<!tpu.dma_semaphore, #tpu.memory_space<semaphore_mem>>) src(%dma_wait3A_59 : memref<15616xf32, #tpu.memory_space<vmem>>) dst(%dma_wait3A_57 : memref<15616xf32, #tpu.memory_space<hbm>>)
    %dma_wait3A_60 = arith.constant 15616 : i32
    %dma_wait3A_61 = tpu.memref_slice %arg7[%dma_wait3A_60] : memref<31264xf32, #tpu.memory_space<vmem>> -> memref<15632xf32, #tpu.memory_space<vmem>>
    %dma_wait3A_62 = tpu.memref_slice %arg4[%add3A_45] : memref<1000000xf32, #tpu.memory_space<hbm>> -> memref<15632xf32, #tpu.memory_space<hbm>>
    %dma_wait3A_63 = tpu.memref_slice %arg4[%add3A_45] : memref<1000000xf32, #tpu.memory_space<hbm>> -> memref<15632xf32, #tpu.memory_space<hbm>>
    %dma_wait3A_64 = arith.constant 15616 : i32
    %dma_wait3A_65 = tpu.memref_slice %arg7[%dma_wait3A_64] : memref<31264xf32, #tpu.memory_space<vmem>> -> memref<15632xf32, #tpu.memory_space<vmem>>
    tpu.wait_dma2 semaphore(%arg11 : memref<!tpu.dma_semaphore, #tpu.memory_space<semaphore_mem>>) src(%dma_wait3A_65 : memref<15632xf32, #tpu.memory_space<vmem>>) dst(%dma_wait3A_63 : memref<15632xf32, #tpu.memory_space<hbm>>)
    return
  }
}

</mosaic_0001>

<sc_bundles>
// kernel: kernel.3.cloned.1.call-start
scs
__scs_entry_jumppad:
0x0: {  	(pc) =	sbr.rel $0x88, $3  }
0x1: {  	(tag) =	ssettag $0x0;
	lr =	simm.s32 $0x1  }
0x2: {  	[smem:$0x3F9E] =	sst lr;
	_ =	strace $0xD0000000  }
0x3: {  	_ = 	snop  }
0x4: {  	_ = 	snop  }
0x5: {  	_ = 	snop  }
0x6: {  	_ = 	snop  }
0x7: {  	_ = 	snop  }
__scs_overlays_trampoline_lowered:
0x8: {  	[smem:$0x3FAD] =	sst s0  }
0x9: {  	[smem:$0x3FAE] =	sst s1  }
0xa: {  	[smem:$0x3FAF] =	sst s2  }
0xb: {  	[smem:$0x3FB0] =	sst s3  }
0xc: {  	[smem:$0x3FB1] =	sst s4  }
0xd: {  	[smem:$0x3FB2] =	sst s5  }
0xe: {  	[smem:$0x3FB3] =	sst s6  }
0xf: {  	[smem:$0x3FB4] =	sst s7  }
0x10: {  	[smem:$0x3FB5] =	sst s8  }
0x11: {  	[smem:$0x3FB6] =	sst s9;
	s0 =	simm.s32 @!p0 $0x0  }
0x12: {  	s1 =	sld [smem:$0x3F9C];
	s0 =	simm.s32 @p0 $0x1  }
0x13: {  	[smem:$0x3FB7] =	sst s0;
	s0 =	simm.s32 @!p1 $0x0  }
0x14: {  	s2 =	sld [smem:$0x3F9B];
	s0 =	simm.s32 @p1 $0x1  }
0x15: {  	[smem:$0x3FB8] =	sst s0;
	s0 =	simm.s32 @!p2 $0x0  }
0x16: {  	s3 =	sld [smem:$0x3FDB];
	s0 =	simm.s32 @p2 $0x1  }
0x17: {  	s4 =	simm.s32 $0x1BF5;
	[smem:$0x3FBA] =	sst s0  }
0x18: {  	s0 =	sld [smem:$0x3F9D];
	_ =	swait.ge [sflag:s4], $0x0  }
0x19: {  	s7 =	sld [smem:$0x3F9E]  }
0x1a: {  	s8 =	sadd.s32 $0xFFFFE003, lr  }
0x1b: {  	s9 =	sadd.s32 $0xFFFFFEF7, lr;
	s5 =	simm.s32 $0xFFFFFFFF;
	p2 =	slt.u32 s8, $0xFFFFF086  }
0x1c: {  	p1 =	slt.u32 s9, $0xF7A;
	s5 =	simm.s32 @!p2 $0x0  }
0x1d: {  	s5 =	simm.s32 @p1 $0x1;
	p0 =	seq.s32 s7, s2  }
0x1e: {  	s7 =	smul.u32 @!p0 $0xF7A, s2;
	p2 =	seq.s32 @!p0 s5, $0x0  }
0x1f: {  	s9 =	smul.u32 $0xF7A, s1;
	s8 =	simm.s32 @!p0 $0x1BF5;
	p2 =	por !p2, p0  }
0x20: {  	[sflag:s8] =	ssyncset.s32 @!p0 $0xFFFFF086;
	s6 =	sadd.s32 @!p0 s3, s7;
	s7 =	simm.s32 @!p0 $0x108  }
0x21: {  	s3 =	sadd.s32 s3, s9;
	s6 =	sadd.s32 @!p0 $0x88, s6;
	s7 =	simm.s32 @p2 $0x1082  }
0x22: {  	[simem:s7], [sflag:s8] =	dma.local @!p0 [hbm:s6], $0xF7A  }
0x23: {  	s9 =	sor.u32 $0xD0000000, s2;
	s6 =	simm.s32 $0x108;
	_ =	swait.ge @!p0 [sflag:s8], $0x0  }
0x24: {  	s3 =	sadd.s32 $0x88, s3;
	s6 =	simm.s32 @!p1 $0x1082;
	[sflag:s4] =	ssyncset.s32 $0xFFFFF086  }
0x25: {  	[simem:s6], [sflag:s4] =	dma.local [hbm:s3], $0xF7A  }
0x26: {  	[smem:$0x3F9E] =	sst s1;
	(tag) =	ssettag s2;
	_ =	strace s9  }
0x27: {  	s1 =	sld [smem:$0x3FAE]  }
0x28: {  	s2 =	sld [smem:$0x3FAF]  }
0x29: {  	s4 =	sld [smem:$0x3FB1]  }
0x2a: {  	p0 =	seq.s32 s5, $0x0;
	s5 =	sld [smem:$0x3FB2]  }
0x2b: {  	s6 =	sld [smem:$0x3FB3]  }
0x2c: {  	s7 =	sld [smem:$0x3FB4]  }
0x2d: {  	s3 =	simm.s32 $0x108;
	s8 =	sld [smem:$0x3FB5]  }
0x2e: {  	s3 =	simm.s32 @!p0 $0x1082;
	s9 =	sld [smem:$0x3FB6]  }
0x2f: {  	lr =	sadd.s32 s0, s3;
	s0 =	sld [smem:$0x3FAD]  }
0x30: {  	s3 =	sld [smem:$0x3FB0]  }
0x31: {  	[smem:$0x3FB9] =	sst s10  }
0x32: {  	s10 =	sld [smem:$0x3FB7];
	_ =	sdelay $0x3  }
0x33: {  	p0 =	seq.s32 s10, $0x1;
	s10 =	sld [smem:$0x3FB9];
	_ =	sdelay $0x3  }
0x34: {  	[smem:$0x3FB9] =	sst s10  }
0x35: {  	s10 =	sld [smem:$0x3FB8];
	_ =	sdelay $0x3  }
0x36: {  	p1 =	seq.s32 s10, $0x1;
	s10 =	sld [smem:$0x3FB9];
	_ =	sdelay $0x3  }
0x37: {  	[smem:$0x3FB9] =	sst s10  }
0x38: {  	s10 =	sld [smem:$0x3FBA]  }
0x39: {  	_ = 	snop;
	(pc) =	sbr.ind lr, $3  }
0x3a: {  	_ = 	snop  }
0x3b: {  	_ = 	snop  }
0x3c: {  	p2 =	seq.s32 s10, $0x1;
	s10 =	sld [smem:$0x3FB9]  }
0x3d: {  	_ =	shalt  }
0x3e: {  	_ =	shalt  }
0x3f: {  	_ =	shalt  }
0x40: {  	_ =	shalt  }
0x41: {  	_ =	shalt  }
0x42: {  	_ =	shalt  }
0x43: {  	_ =	shalt  }
0x44: {  	_ =	shalt  }
0x45: {  	_ =	shalt  }
0x46: {  	_ =	shalt  }
0x47: {  	_ =	shalt  }
0x48: {  	_ =	shalt  }
0x49: {  	_ =	shalt  }
0x4a: {  	_ =	shalt  }
0x4b: {  	_ =	shalt  }
0x4c: {  	_ =	shalt  }
0x4d: {  	_ =	shalt  }
0x4e: {  	_ =	shalt  }
0x4f: {  	_ =	shalt  }
0x50: {  	_ =	shalt  }
0x51: {  	_ =	shalt  }
0x52: {  	_ =	shalt  }
0x53: {  	_ =	shalt  }
0x54: {  	_ =	shalt  }
0x55: {  	_ =	shalt  }
0x56: {  	_ =	shalt  }
0x57: {  	_ =	shalt  }
0x58: {  	_ =	shalt  }
0x59: {  	_ =	shalt  }
0x5a: {  	_ =	shalt  }
0x5b: {  	_ =	shalt  }
0x5c: {  	_ =	shalt  }
0x5d: {  	_ =	shalt  }
0x5e: {  	_ =	shalt  }
0x5f: {  	_ =	shalt  }
0x60: {  	_ =	shalt  }
0x61: {  	_ =	shalt  }
0x62: {  	_ =	shalt  }
0x63: {  	_ =	shalt  }
0x64: {  	_ =	shalt  }
0x65: {  	_ =	shalt  }
0x66: {  	_ =	shalt  }
0x67: {  	_ =	shalt  }
0x68: {  	_ =	shalt  }
0x69: {  	_ =	shalt  }
0x6a: {  	_ =	shalt  }
0x6b: {  	_ =	shalt  }
0x6c: {  	_ =	shalt  }
0x6d: {  	_ =	shalt  }
0x6e: {  	_ =	shalt  }
0x6f: {  	_ =	shalt  }
0x70: {  	_ =	shalt  }
0x71: {  	_ =	shalt  }
0x72: {  	_ =	shalt  }
0x73: {  	_ =	shalt  }
0x74: {  	_ =	shalt  }
0x75: {  	_ =	shalt  }
0x76: {  	_ =	shalt  }
0x77: {  	_ =	shalt  }
0x78: {  	_ =	shalt  }
0x79: {  	_ =	shalt  }
0x7a: {  	_ =	shalt  }
0x7b: {  	_ =	shalt  }
0x7c: {  	_ =	shalt  }
0x7d: {  	_ =	shalt  }
0x7e: {  	_ =	shalt  }
0x7f: {  	_ =	shalt  }
0x80: {  	_ =	shalt  }
0x81: {  	_ =	shalt  }
0x82: {  	_ =	shalt  }
0x83: {  	_ =	shalt  }
0x84: {  	_ =	shalt  }
0x85: {  	_ =	shalt  }
0x86: {  	_ =	shalt  }
0x87: {  	_ =	shalt  }
.Lfunc_end0:
.L_simem_size_0:
called_computation_lowered:
.L_overlay_start_0:
0x88: {  	s2 =	sld [smem:$0x3FD9]  }
0x89: {  	s3 =	sld [smem:$0x3FFE];
	_ =	sdelay $0x1  }
0x8a: {  	s1 =	srdreg.scid  }
0x8b: {  	s0 =	sand.u32 $0x1, s1  }
0x8c: {  	s17 =	sshll.u32 s0, $0xA;
	s2 =	sadd.s32 s3, s2  }
0x8d: {  	s2 =	sadd.s32 s2, s17  }
0x8e: {  	[smem:$0x3FC5] =	sst s2  }
0x8f: {  	_ = 	snop  }
0x90: {  	s2 =	sld [smem:$0x3FC8]  }
0x91: {  	s18 =	sld [smem:$0x3FC7];
	(tm) =	ssettm $0x1  }
0x92: {  	s4 =	sld [smem:$0x3FFB];
	_ =	sdelay $0x3  }
0x93: {  	_ =	strace s4  }
0x94: {  	s4 =	sld [smem:$0x3FFC];
	_ =	sdelay $0x3  }
0x95: {  	_ =	strace s4  }
0x96: {  	s4 =	sld [smem:$0x3FFD];
	_ =	sdelay $0x3  }
0x97: {  	_ =	strace s4  }
0x98: {  	_ =	strace $0x8FFFFFFF  }
0x99: {  	s19 =	sld [smem:$0x3FDB];
	_ =	sdelay $0x1  }
0x9a: {  	s5 =	simm.s32 $_scs_section_size  }
0x9b: {  	s6 =	simm.s32 $_size__tile_overlayer_lowered;
	s7 =	simm.s32 $_tile_overlayer_lowered  }
0x9c: {  	s22 =	simm.s32 $0x1BFF;
	s21 =	sshll.u32 s7, $0x1;
	s4 =	sadd.s32 s5, s19  }
0x9d: {  	s8 =	simm.s32 $0x0;
	s20 =	sshll.u32 s6, $0x1;
	s6 =	sadd.s32 s21, s4  }
0x9e: {  	[timem:s8], [sflag:s22] =	dma.local [hbm:s6], s20  }
0x9f: {  	_ =	swait.ge [sflag:s22], s20  }
0xa0: {  	s5 =	ssub.s32 $0x0, s20;
	[sflag:s22] =	ssyncset.done $0x0  }
0xa1: {  	[sflag:s22] =	ssyncadd.s32 s5;
	_ =	sdelay $0x1  }
0xa2: {  	s23 =	simm.s32 $0x1B8B  }
0xa3: {  	_ =	swait.ge [sflag:s23], $0x1  }
0xa4: {  	[sflag:s23] =	ssyncset.done $0x0  }
0xa5: {  	s25 =	simm.s32 $0x1B8E;
	s24 =	sld [smem:$0x3FFE];
	[sflag:s23] =	ssyncadd.s32 $0xFFFFFFFF  }
0xa6: {  	s26 =	simm.s32 $execute0_lowered;
	[smem:$0x3FD2] =	sst s25  }
0xa7: {  	s6 =	sshll.u32 s26, $0x1;
	_ =	strace $0x80000046;
	[dreg:$0x1] =	wrdreg $0xFFFFFFFF  }
0xa8: {  	s28 =	simm.s32 $_size_execute0_lowered;
	s4 =	sadd.s32 s4, s6;
	[dreg:$0x0] =	wrdreg $0x0  }
0xa9: {  	s6 =	sshll.u32 s28, $0x1;
	[dreg:$0x2] =	wrdreg s4  }
0xaa: {  	[dreg:$0x3] =	wrdreg s6  }
0xab: {  	[dreg:$0x4] =	wrdreg $0xC0  }
0xac: {  	_ =	task [dreg:s8], $0x5FFFF  }
0xad: {  	[dreg:$0x1] =	wrdreg $0xFFFFFFFF  }
0xae: {  	[dreg:$0x0] =	wrdreg $0x60  }
0xaf: {  	[dreg:$0x2] =	wrdreg s2  }
0xb0: {  	[dreg:$0x3] =	wrdreg s18  }
0xb1: {  	[dreg:$0x4] =	wrdreg s24  }
0xb2: {  	[dreg:$0x5] =	wrdreg $0x9  }
0xb3: {  	_ =	task.clear_ibuf [dreg:s8], $0x6FFFF;
	_ =	strace $0x90000046  }
0xb4: {  	s29 =	simm.s32 $0x9;
	_ =	strace $0x80000048  }
0xb5: {  	_ =	swait.ge [sflag:s29], $0x1  }
0xb6: {  	[sflag:s29] =	ssyncadd.s32 $0xFFFFFFFF  }
0xb7: {  	_ =	strace $0x90000048  }
0xb8: {  	_ =	sfence  }
0xb9: {  	s30 =	sld [smem:$0x0];
	_ =	sdelay $0x2  }
0xba: {  	s31 =	sshll.u32 s1, $0xD;
	s1 =	sshrl.u32 s1, $0x2  }
0xbb: {  	s3 =	sand.u32 $0x4000, s31;
	s1 =	sadd.s32 s1, s30  }
0xbc: {  	s0 =	sor.u32 s3, s0;
	s1 =	sshll.u32 s1, $0x11  }
0xbd: {  	s0 =	sor.u32 s1, s0  }
0xbe: {  	s0 =	sadd.s32 $0x8F2B, s0  }
0xbf: {  	[sflag:s0] =	ssyncadd.remote.s32 $0x1  }
0xc0: {  	_ =	sfence.sel $0xFFFF  }
0xc1: {  	[dreg:$0x0] =	wrdreg $0xFFFFFFFF;
	(pc) =	sbr.abs _section_cstart, $3  }
0xc2: {  	[dreg:$0x1] =	wrdreg $0xFFFFFFFF  }
0xc3: {  	_ =	task.clear_ibuf [dreg:s8], $0x2FFFF;
	_ =	strace $0x9FFFFFFF  }
0xc4: {  	(tm) =	ssettm $0x7FFFFFFF  }
0xc5: {  	_ =	shalt  }
tec
execute0_lowered:
.L_overlay_start_1:
0x0: {  	(tag) =	ssettag $0x1  }
0x1: {  	s8 =	rddreg [dreg:$0x0]  }
0x2: {  	s2 =	rddreg [dreg:$0x1];
	s1 =	srdreg.scid  }
0x3: {  	s0 =	stileid.u32;
	s4 =	rddreg [dreg:$0x2];
	s3 =	simm.s32 $0x0  }
0x4: {  	s13 =	simm.s32 $0x5;
	s14 =	simm.s32 $0x1;
	s15 =	simm.s32 $0x7B00  }
0x5: {  	s16 =	simm.s32 $0x2;
	s17 =	simm.s32 $0xB800;
	s18 =	simm.s32 $0x3  }
0x6: {  	s19 =	simm.s32 $0x4;
	s5 =	sand.u32 $0x1, s1;
	s1 =	rddreg [dreg:$0x3]  }
0x7: {  	s20 =	simm.s32 $0x0;
	s6 =	sshll.u32 s0, $0x1;
	[smem:$0x7FF] =	sst s3  }
0x8: {  	s9 =	sadd.s32 $0x600, s4;
	s6 =	sor.u32 s5, s6;
	s31 =	ssub.s32 $0x2, s5  }
0x9: {  	p0 =	sgt.u32 s0, $0x1;
	s7 =	smul.u32 $0x7A10, s6;
	s5 =	sshrl.u32 s31, $0x1  }
0xa: {  	_ =	strace $0x80000047;
	s6 =	sshll.u32 s6, $0x1;
	s10 =	ssub.s32 s31, s5  }
0xb: {  	s11 =	sor.u32 $0x1E840, s6;
	s7 =	sshrl.u32 s7, $0x3;
	s10 =	smax.u32 s10, $0x1  }
0xc: {  	s12 =	sadd.s32 $0x7A0, s7;
	s4 =	sadd.s32 s8, s7;
	s6 =	sadd.s32 s9, s7  }
0xd: {  	s5 =	sadd.s32 s8, s12;
	s7 =	sadd.s32 s9, s12;
	s8 =	sadd.s32 s8, s11  }
0xe: {  	s9 =	sadd.s32 s9, s11;
	s11 =	simm.s32 $0x80;
	s12 =	simm.s32 $0x3D80  }
.LBB2_1:
0xf: {  	[tilespmem:s11], [sflag:$0x1] =	stream.linear.gather [hbm4b:s4+s3], $0x3D00, $0x38;
	[tilespmem:$0xF580] =	vst v63  }
0x10: {  	_ = 	snop  }
0x11: {  	[tilespmem:s12], [sflag:$0x2] =	stream.linear.gather [hbm4b:s5+s3], $0x3D10, $0x38;
	[tilespmem:$0xF580] =	vst v63  }
0x12: {  	_ = 	snop  }
0x13: {  	[tilespmem:s3], [sflag:$0x5] =	stream.linear.gather [hbm4b:s2+s3], $0x80, $0x38;
	[tilespmem:$0xF580] =	vst v63  }
0x14: {  	_ =	swait.ge [sflag:s13], $0x80  }
0x15: {  	[sflag:s13] =	ssyncset.done $0x0  }
0x16: {  	[sflag:s13] =	ssyncadd.s32 $0xFFFFFF80  }
0x17: {  	_ =	swait.ge [sflag:s14], $0x3D00  }
0x18: {  	[sflag:s14] =	ssyncset.done $0x0  }
0x19: {  	s21 =	simm.s32 $0xA0;
	[sflag:s14] =	ssyncadd.s32 $0xFFFFC300  }
0x1a: {  	v0 =	vld [tilespmem:s21+$0x10];
	_ =	sdelay $0x1  }
0x1b: {  	v2 =	vld [tilespmem:s21+$0xFFFFFFE0]  }
0x1c: {  	v3 =	vld [tilespmem:s21+$0xFFFFFFF0]  }
0x1d: {  	s31 =	simm.s32 $0xE0;
	v4 =	vld [tilespmem:s21+$0x0]  }
0x1e: {  	v7 =	vld [tilespmem:s31+$0x10]  }
0x1f: {  	v1 =	vld [tilespmem:s31+$0xFFFFFFF0]  }
0x20: {  	v6 =	vld [tilespmem:s31+$0xFFFFFFE0]  }
0x21: {  	v8 =	vld.idx.msk [tilespmem:v0+s3+$0x0], $0xffff  }
0x22: {  	v0 =	vld [tilespmem:s31+$0x0]  }
0x23: {  	v5 =	vld.idx.msk [tilespmem:v2+s3+$0x0], $0xffff  }
0x24: {  	v2 =	vld.idx.msk [tilespmem:v3+s3+$0x0], $0xffff  }
0x25: {  	s21 =	simm.s32 $0x7B20;
	v3 =	vld.idx.msk [tilespmem:v4+s3+$0x0], $0xffff  }
0x26: {  	s22 =	simm.s32 $0x40;
	s23 =	simm.s32 $0x120;
	v4 =	vld.idx.msk [tilespmem:v7+s3+$0x0], $0xffff;
	[tilespmem:s21+$0x10] =	vst v8  }
.LBB2_2:
0x27: {  	v7 =	vld [tilespmem:s23+$0x10];
	s22 =	sadd.s32 $0x40, s22  }
0x28: {  	v8 =	vld [tilespmem:s23+$0xFFFFFFF0];
	p1 =	slt.u32 s22, $0x3CC0;
	[tilespmem:s21+$0xFFFFFFE0] =	vst v5  }
0x29: {  	v9 =	vld [tilespmem:s23+$0x0];
	[tilespmem:s21+$0xFFFFFFF0] =	vst v2  }
0x2a: {  	v10 =	vld [tilespmem:s23+$0xFFFFFFE0];
	[tilespmem:s21+$0x0] =	vst v3  }
.Ltmp0:
0x2b: {  	s21 =	sadd.s32 $0x40, s21;
	v5 =	vld.idx.msk [tilespmem:v6+s3+$0x0], $0xffff;
	(pc) =	sbr.rel @p1 .LBB2_2-.Ltmp0, $4  }
0x2c: {  	v2 =	vld.idx.msk [tilespmem:v1+s3+$0x0], $0xffff;
	[tilespmem:s21+$0x10] =	vst v4  }
0x2d: {  	v3 =	vld.idx.msk [tilespmem:v0+s3+$0x0], $0xffff;
	v1 =	vmov v8  }
0x2e: {  	v0 =	vmov v9  }
0x2f: {  	s23 =	sadd.s32 $0x40, s23;
	v4 =	vld.idx.msk [tilespmem:v7+s3+$0x0], $0xffff;
	v6 =	vmov v10  }
0x30: {  	_ =	sdelay $0x3  }
0x31: {  	v6 =	vld.idx.msk [tilespmem:v6+s3+$0x0], $0xffff  }
0x32: {  	[tilespmem:s21+$0xFFFFFFE0] =	vst v5;
	v1 =	vld.idx.msk [tilespmem:v1+s3+$0x0], $0xffff  }
0x33: {  	v0 =	vld.idx.msk [tilespmem:v0+s3+$0x0], $0xffff;
	[tilespmem:s21+$0xFFFFFFF0] =	vst v2  }
0x34: {  	s29 =	sadd.s32 $0x40, s21;
	[tilespmem:s21+$0x0] =	vst v3  }
0x35: {  	[tilespmem:s29+$0x10] =	vst v4  }
0x36: {  	[tilespmem:s29+$0xFFFFFFE0] =	vst v6  }
0x37: {  	[tilespmem:s29+$0xFFFFFFF0] =	vst v1  }
0x38: {  	[tilespmem:s29+$0x0] =	vst v0  }
0x39: {  	[hbm4b:s6+s3] =	stream.linear.scatter [tilespmem:s15], [sflag:$0x3], $0x3D00, $0x38;
	[tilespmem:$0xF580] =	vst v63  }
0x3a: {  	_ =	swait.ge [sflag:s16], $0x3D10  }
0x3b: {  	[sflag:s16] =	ssyncset.done $0x0  }
0x3c: {  	s30 =	simm.s32 $0x3DB0;
	[sflag:s16] =	ssyncadd.s32 $0xFFFFC2F0  }
0x3d: {  	v0 =	vld [tilespmem:s30+$0x0];
	_ =	sdelay $0x1  }
0x3e: {  	v2 =	vld [tilespmem:s30+$0xFFFFFFD0]  }
0x3f: {  	v3 =	vld [tilespmem:s30+$0xFFFFFFE0]  }
0x40: {  	s31 =	simm.s32 $0x3DF0;
	v4 =	vld [tilespmem:s30+$0xFFFFFFF0]  }
0x41: {  	v7 =	vld [tilespmem:s31+$0x0]  }
0x42: {  	v1 =	vld [tilespmem:s31+$0xFFFFFFE0]  }
0x43: {  	v6 =	vld [tilespmem:s31+$0xFFFFFFD0]  }
0x44: {  	v8 =	vld.idx.msk [tilespmem:v0+s3+$0x0], $0xffff  }
0x45: {  	v0 =	vld [tilespmem:s31+$0xFFFFFFF0]  }
0x46: {  	v5 =	vld.idx.msk [tilespmem:v2+s3+$0x0], $0xffff  }
0x47: {  	v2 =	vld.idx.msk [tilespmem:v3+s3+$0x0], $0xffff  }
0x48: {  	s21 =	simm.s32 $0xB830;
	v3 =	vld.idx.msk [tilespmem:v4+s3+$0x0], $0xffff  }
0x49: {  	s22 =	simm.s32 $0x3D40;
	s23 =	simm.s32 $0x3E30;
	v4 =	vld.idx.msk [tilespmem:v7+s3+$0x0], $0xffff;
	[tilespmem:s21+$0x0] =	vst v8  }
.LBB2_4:
0x4a: {  	v7 =	vld [tilespmem:s23+$0x0];
	s22 =	sadd.s32 $0x40, s22  }
0x4b: {  	v8 =	vld [tilespmem:s23+$0xFFFFFFE0];
	p1 =	slt.u32 s22, $0x79C0;
	[tilespmem:s21+$0xFFFFFFD0] =	vst v5  }
0x4c: {  	v9 =	vld [tilespmem:s23+$0xFFFFFFF0];
	[tilespmem:s21+$0xFFFFFFE0] =	vst v2  }
0x4d: {  	v10 =	vld [tilespmem:s23+$0xFFFFFFD0];
	[tilespmem:s21+$0xFFFFFFF0] =	vst v3  }
.Ltmp1:
0x4e: {  	s21 =	sadd.s32 $0x40, s21;
	v5 =	vld.idx.msk [tilespmem:v6+s3+$0x0], $0xffff;
	(pc) =	sbr.rel @p1 .LBB2_4-.Ltmp1, $4  }
0x4f: {  	v2 =	vld.idx.msk [tilespmem:v1+s3+$0x0], $0xffff;
	[tilespmem:s21+$0x0] =	vst v4  }
0x50: {  	v3 =	vld.idx.msk [tilespmem:v0+s3+$0x0], $0xffff;
	v1 =	vmov v8  }
0x51: {  	v0 =	vmov v9  }
0x52: {  	s23 =	sadd.s32 $0x40, s23;
	v4 =	vld.idx.msk [tilespmem:v7+s3+$0x0], $0xffff;
	v6 =	vmov v10  }
0x53: {  	_ =	sdelay $0x3  }
0x54: {  	v6 =	vld.idx.msk [tilespmem:v6+s3+$0x0], $0xffff  }
0x55: {  	[tilespmem:s21+$0xFFFFFFD0] =	vst v5;
	v1 =	vld.idx.msk [tilespmem:v1+s3+$0x0], $0xffff  }
0x56: {  	v0 =	vld.idx.msk [tilespmem:v0+s3+$0x0], $0xffff;
	[tilespmem:s21+$0xFFFFFFE0] =	vst v2  }
0x57: {  	s31 =	sadd.s32 $0x40, s21;
	[tilespmem:s21+$0xFFFFFFF0] =	vst v3  }
0x58: {  	[tilespmem:s31+$0x0] =	vst v4  }
0x59: {  	[tilespmem:s31+$0xFFFFFFD0] =	vst v6  }
0x5a: {  	[tilespmem:s31+$0xFFFFFFE0] =	vst v1  }
0x5b: {  	[tilespmem:s31+$0xFFFFFFF0] =	vst v0  }
0x5c: {  	v0 =	vld [tilespmem:$0x7A80];
	_ =	sdelay $0x7  }
0x5d: {  	v0 =	vld.idx.msk [tilespmem:v0+s3+$0x0], $0xffff;
	_ =	sdelay $0x4  }
0x5e: {  	[tilespmem:$0xF500] =	vst v0  }
0x5f: {  	[hbm4b:s7+s3] =	stream.linear.scatter [tilespmem:s17], [sflag:$0x4], $0x3D10, $0x38;
	[tilespmem:$0xF580] =	vst v63  }
0x60: {  	s22 =	simm.s32 @!p0 $0x7A90;
	s21 =	simm.s32 @!p0 $0x0  }
0x61: {  	[tilespmem:s22], [sflag:$0x5] =	stream.linear.gather @!p0 [hbm4b:s8+s21], $0x10, $0x38;
	[tilespmem:$0xF580] =	vst v63  }
0x62: {  	s22 =	simm.s32 @!p0 $0x5  }
0x63: {  	_ =	swait.ge @!p0 [sflag:s22], $0x10  }
0x64: {  	[sflag:s22] =	ssyncset.done @!p0 $0x0  }
0x65: {  	[sflag:s22] =	ssyncadd.s32 @!p0 $0xFFFFFFF0  }
0x66: {  	v0 =	vld @!p0 [tilespmem:$0x7A90];
	_ =	sdelay $0x7  }
0x67: {  	v0 =	vld.idx.msk @!p0 [tilespmem:v0+s21+$0x0], $0xffff;
	_ =	sdelay $0x4  }
0x68: {  	s23 =	simm.s32 @!p0 $0xF510;
	[tilespmem:$0xF510] =	vst @!p0 v0  }
0x69: {  	[hbm4b:s9+s21] =	stream.linear.scatter @!p0 [tilespmem:s23], [sflag:$0x5], $0x10, $0x38;
	[tilespmem:$0xF580] =	vst v63  }
0x6a: {  	_ =	swait.ge @!p0 [sflag:s22], $0x10  }
0x6b: {  	[sflag:s22] =	ssyncset.done @!p0 $0x0  }
0x6c: {  	s20 =	sadd.s32 $0x1, s20;
	[sflag:s22] =	ssyncadd.s32 @!p0 $0xFFFFFFF0  }
0x6d: {  	p1 =	sne.s32 s20, s10;
	_ =	swait.ge [sflag:s18], $0x3D00  }
.Ltmp2:
0x6e: {  	[sflag:s18] =	ssyncset.done $0x0;
	(pc) =	sbr.rel @p1 .LBB2_1-.Ltmp2, $4  }
0x6f: {  	[sflag:s18] =	ssyncadd.s32 $0xFFFFC300  }
0x70: {  	_ =	swait.ge [sflag:s19], $0x3D10  }
0x71: {  	[sflag:s19] =	ssyncset.done $0x0  }
0x72: {  	[sflag:s19] =	ssyncadd.s32 $0xFFFFC2F0  }
0x73: {  	_ =	sfence.sel $0x180000  }
0x74: {  	[bflag:$0x0] =	sbarrier.arrive $0xFFFF  }
0x75: {  	p0 =	sne.s32 s0, $0x0;
	_ =	strace $0x90000047  }
0x76: {  	s0 =	sadd.s32 @!p0 $0x100000, s1;
	[bflag:$0x2] =	sbarrier.arrive $0xFFFF  }
0x77: {  	[sflag:s0] =	ssyncadd.tile.s32 @!p0 $0x1;
	_ =	shalt  }
.Lfunc_end2:
_tile_overlayer_lowered:
.L_overlay_start_2:
0x78: {  	(tag) =	ssettag $0x2  }
0x79: {  	s0 =	rddreg [dreg:$0x0];
	s2 =	stileid.u32  }
0x7a: {  	s1 =	rddreg [dreg:$0x1];
	p0 =	sne.s32 s2, $0x0  }
0x7b: {  	s3 =	rddreg [dreg:$0x2];
	[bflag:$0x3] =	sbarrier.arrive $0xFFFF;
	s2 =	simm.s32 @!p0 $0x1C05  }
0x7c: {  	[timem:s3], [sflag:s2] =	dma.local @!p0 [hbm:s0], s1  }
0x7d: {  	s0 =	simm.s32 @!p0 $0x5  }
0x7e: {  	_ =	swait.ge @!p0 [sflag:s0], s1  }
0x7f: {  	s1 =	ssub.s32 @!p0 $0x0, s1;
	[sflag:s0] =	ssyncset.done @!p0 $0x0  }
0x80: {  	[sflag:s0] =	ssyncadd.s32 @!p0 s1  }
0x81: {  	[bflag:$0x3] =	sbarrier.arrive $0xFFFF  }
0x82: {  	_ =	shalt  }

</sc_bundles>
